<compile_context>
chip_gen: v7x
topology: tpu7x:2x2x1
jax: 0.10.2.dev20260603
libtpu: 0.0.44.dev20260713+nightly
codegen_flags: <defaults>
</compile_context>

<pallas_src>
import functools

import jax
import jax.numpy as jnp
from jax import lax
from jax.experimental import pallas as pl
from jax.experimental.pallas import tpu as pltpu
from jax.experimental.pallas import tpu_sc as plsc

_DELTA_V = 21.5
_K = 512
_D = 256
_HW = 1024
_B = 8
_NPTS = _B * _HW
_NC = 2
_NS = 16
_NW = _NC * _NS
_PPW = _NPTS // _NW
_G = 16
_NG = _PPW // _G


def _label_body(x_ref, c_ref, lab_ref):
    x = x_ref[0]
    xt = jnp.transpose(x, (1, 0))
    c = c_ref[...]
    ab = lax.dot_general(
        xt, c, (((1,), (1,)), ((), ())),
        preferred_element_type=jnp.float32)
    aa = jnp.sum(xt * xt, axis=1, keepdims=True)
    bb = jnp.sum(c * c, axis=1)[None, :]
    dist = jnp.sqrt(jnp.maximum(aa - 2.0 * ab + bb, 0.0))
    mask = dist <= _DELTA_V
    kidx = lax.broadcasted_iota(jnp.int32, (_HW, _K), 1)
    lab_ref[...] = jnp.max(jnp.where(mask, kidx, 0), axis=1, keepdims=True)


def _labels_tc(x3, c):
    return pl.pallas_call(
        _label_body,
        grid=(_B,),
        in_specs=[
            pl.BlockSpec((1, _D, _HW), lambda i: (i, 0, 0)),
            pl.BlockSpec((_K, _D), lambda i: (0, 0)),
        ],
        out_specs=pl.BlockSpec((_HW, 1), lambda i: (i, 0)),
        out_shape=jax.ShapeDtypeStruct((_NPTS, 1), jnp.int32),
    )(x3, c)


@functools.partial(
    pl.kernel,
    out_type=jax.ShapeDtypeStruct((_NPTS, _K), jnp.int32),
    mesh=plsc.VectorSubcoreMesh(core_axis_name="c", subcore_axis_name="s"),
    scratch_types=[
        pltpu.VMEM((_PPW,), jnp.int32),
        pltpu.VMEM((_G, _K), jnp.int32),
    ],
    compiler_params=pltpu.CompilerParams(
        use_tc_tiling_on_sc=False, needs_layout_passes=False),
)
def _onehot_sc(lab_hbm, out_hbm, lab_v, buf_v):
    wid = lax.axis_index("s") * _NC + lax.axis_index("c")
    base = wid * _PPW
    pltpu.sync_copy(lab_hbm.at[pl.ds(base, _PPW)], lab_v)
    zeros = jnp.zeros((16,), jnp.int32)
    ones = jnp.full((16,), 1, jnp.int32)
    rows = lax.iota(jnp.int32, 16)

    def _zero_row(r, carry):
        for j in range(_K // 16):
            buf_v[r, pl.ds(j * 16, 16)] = zeros
        return carry

    lax.fori_loop(0, _G, _zero_row, 0)

    def _group(g, carry):
        lab16 = lab_v[pl.ds(g * _G, _G)]
        plsc.store_scatter(buf_v, [rows, lab16], ones)
        pltpu.sync_copy(buf_v, out_hbm.at[pl.ds(base + g * _G, _G)])
        plsc.store_scatter(buf_v, [rows, lab16], zeros)
        return carry

    lax.fori_loop(0, _NG, _group, 0)


def kernel(x, centers, cls_ids):
    b, d, h, w = x.shape
    del cls_ids
    x3 = x.reshape(b, d, h * w)
    c = centers.reshape(_K, _D)
    labels = _labels_tc(x3, c).reshape(_NPTS)
    onehot = _onehot_sc(labels)
    return onehot.reshape(b, h, w, _K)

# --- scband reference (transcript-rebuilt; emitter-appended) ---
"""Pipeline reference for scband-discrim-classifier-18485539242908 (READ-ONLY COPY).

The authoritative reference and input builder live on the scoring server;
editing this copy changes nothing except your own understanding.
"""

import jax, jax.numpy as jnp
import numpy as np

DELTA_V = 21.5
NUM_CLASSES = 512


def _cdist(a, b):
    # a: [B, N, D], b: [K, D] -> [B, N, K]; euclidean, matches torch.cdist(p=2)
    aa = jnp.sum(a * a, axis=-1, keepdims=True)
    bb = jnp.sum(b * b, axis=-1)[None, None, :]
    ab = jnp.einsum('bnd,kd->bnk', a, b)
    return jnp.sqrt(jnp.maximum(aa - 2.0 * ab + bb, 0.0))


def setup_inputs(seed: int = 0) -> dict:
    key = jax.random.key(seed)
    k1, k2 = jax.random.split(key)
    x = jax.random.normal(k1, (8, 256, 32, 32), dtype=jnp.float32)
    # cluster_centers: 512 classes, each with a single [1, 256] center
    centers = jax.random.normal(k2, (512, 1, 256), dtype=jnp.float32)
    cls_ids = jnp.arange(512, dtype=jnp.int32)
    return {"x": x, "centers": centers, "cls_ids": cls_ids}


def reference(x, centers, cls_ids):
    b, d, h, w = x.shape
    xp = jnp.transpose(x, (0, 2, 3, 1)).reshape(b, h * w, d)
    c = centers[:, 0, :]  # [K, D]
    dist = _cdist(xp, c)  # [B, HW, K]
    mask = dist <= DELTA_V
    # torch loop assigns labelmap[mask] = cls_ids[k] sequentially over k,
    # so the LAST matching class index wins; default label is 0.
    any_match = jnp.any(mask, axis=-1)
    kdim = mask.shape[-1]
    last_idx = kdim - 1 - jnp.argmax(mask[..., ::-1], axis=-1)
    label = jnp.where(any_match, cls_ids[last_idx], 0).astype(jnp.int32)
    labelmap = label.reshape(b, h, w)
    onehot = jax.nn.one_hot(labelmap, NUM_CLASSES, dtype=jnp.int32)
    return onehot

if __name__ == "__main__":
    import jax
    _d = setup_inputs()
    print(jax.jit(kernel)(*tuple(_d.values())))

</pallas_src>

<mosaic_0001>
#map = affine_map<(d0, d1) -> (0)>
#map1 = affine_map<(d0, d1) -> (0, 0)>
module attributes {stable_mosaic.version = 14 : i64} {
  func.func @_onehot_sc(%arg0: i32, %arg1: i32, %arg2: memref<8192xi32, #tpu.memory_space<hbm>>, %arg3: memref<8192x512xi32, #tpu.memory_space<hbm>>, %arg4: memref<256xi32, #tpu.memory_space<vmem>>, %arg5: memref<16x512xi32, #tpu.memory_space<vmem>>) attributes {dimension_semantics = [#tpu.dimension_semantics<core_parallel>, #tpu.dimension_semantics<subcore_parallel>], iteration_bounds = array<i64: 2, 16>, scalar_prefetch = 0 : i64, scratch_operands = 2 : i64, tpu.core_type = #tpu.core_type<sc_vector_subcore>, window_params = [{transform_indices = #map}, {transform_indices = #map1}]} {
    %mul3A = arith.constant 2 : i32
    %mul3A_0 = arith.muli %arg1, %mul3A : i32
    %add3A = arith.addi %mul3A_0, %arg0 : i32
    %mul3A_1 = arith.constant 256 : i32
    %mul3A_2 = arith.muli %add3A, %mul3A_1 : i32
    "tpu.region"() ({
      %run_scoped3A = tpu.sem_alloc : memref<!tpu.dma_semaphore, #tpu.memory_space<semaphore_mem>>
      %dma_start3A = tpu.memref_slice %arg2[%mul3A_2] : memref<8192xi32, #tpu.memory_space<hbm>> -> memref<256xi32, #tpu.memory_space<hbm>>
      %dma_start3A_17 = tpu.memref_slice %arg2[%mul3A_2] : memref<8192xi32, #tpu.memory_space<hbm>> -> memref<256xi32, #tpu.memory_space<hbm>>
      tpu.enqueue_dma source(%dma_start3A_17 : memref<256xi32, #tpu.memory_space<hbm>>) target(%arg4 : memref<256xi32, #tpu.memory_space<vmem>>) target_semaphore(%run_scoped3A : memref<!tpu.dma_semaphore, #tpu.memory_space<semaphore_mem>>)
      %dma_wait3A = tpu.memref_slice %arg2[%mul3A_2] : memref<8192xi32, #tpu.memory_space<hbm>> -> memref<256xi32, #tpu.memory_space<hbm>>
      %dma_wait3A_18 = tpu.memref_slice %arg2[%mul3A_2] : memref<8192xi32, #tpu.memory_space<hbm>> -> memref<256xi32, #tpu.memory_space<hbm>>
      tpu.wait_dma2 semaphore(%run_scoped3A : memref<!tpu.dma_semaphore, #tpu.memory_space<semaphore_mem>>) src(%dma_wait3A_18 : memref<256xi32, #tpu.memory_space<hbm>>) dst(%arg4 : memref<256xi32, #tpu.memory_space<vmem>>)
      tpu.yield
    }) : () -> ()
    %broadcast_in_dim3A = arith.constant 0 : i32
    %broadcast_in_dim3A_3 = vector.broadcast %broadcast_in_dim3A : i32 to vector<16xi32>
    %broadcast_in_dim3A_4 = arith.constant 1 : i32
    %broadcast_in_dim3A_5 = vector.broadcast %broadcast_in_dim3A_4 : i32 to vector<16xi32>
    %iota3A = tpu.iota {dimensions = array<i32: 0>} : vector<16xi32>
    %scan3A = arith.constant 0 : i32
    %scan3A_6 = arith.constant 0 : i32
    %scan3A_7 = arith.constant 16 : i32
    %scan3A_8 = arith.addi %scan3A_6, %scan3A_7 : i32
    %scan3A_9 = arith.constant 1 : i32
    scf.for %scan3A_17 = %scan3A_6 to %scan3A_8 step %scan3A_9  : i32 {
      %swap3A = arith.index_cast %scan3A_17 : i32 to index
      %swap3A_18 = arith.constant 0 : index
      %swap3A_19 = tpu.vector_load %arg5[%swap3A, %swap3A_18] {strides = array<i32>} : memref<16x512xi32, #tpu.memory_space<vmem>>, vector<16xi32>,
      tpu.vector_store %arg5[%swap3A, %swap3A_18], %broadcast_in_dim3A_3 {strides = array<i32>} : memref<16x512xi32, #tpu.memory_space<vmem>>, vector<16xi32>,
      %swap3A_20 = arith.index_cast %scan3A_17 : i32 to index
      %swap3A_21 = arith.constant 16 : index
      %swap3A_22 = tpu.vector_load %arg5[%swap3A_20, %swap3A_21] {strides = array<i32>} : memref<16x512xi32, #tpu.memory_space<vmem>>, vector<16xi32>,
      tpu.vector_store %arg5[%swap3A_20, %swap3A_21], %broadcast_in_dim3A_3 {strides = array<i32>} : memref<16x512xi32, #tpu.memory_space<vmem>>, vector<16xi32>,
      %swap3A_23 = arith.index_cast %scan3A_17 : i32 to index
      %swap3A_24 = arith.constant 32 : index
      %swap3A_25 = tpu.vector_load %arg5[%swap3A_23, %swap3A_24] {strides = array<i32>} : memref<16x512xi32, #tpu.memory_space<vmem>>, vector<16xi32>,
      tpu.vector_store %arg5[%swap3A_23, %swap3A_24], %broadcast_in_dim3A_3 {strides = array<i32>} : memref<16x512xi32, #tpu.memory_space<vmem>>, vector<16xi32>,
      %swap3A_26 = arith.index_cast %scan3A_17 : i32 to index
      %swap3A_27 = arith.constant 48 : index
      %swap3A_28 = tpu.vector_load %arg5[%swap3A_26, %swap3A_27] {strides = array<i32>} : memref<16x512xi32, #tpu.memory_space<vmem>>, vector<16xi32>,
      tpu.vector_store %arg5[%swap3A_26, %swap3A_27], %broadcast_in_dim3A_3 {strides = array<i32>} : memref<16x512xi32, #tpu.memory_space<vmem>>, vector<16xi32>,
      %swap3A_29 = arith.index_cast %scan3A_17 : i32 to index
      %swap3A_30 = arith.constant 64 : index
      %swap3A_31 = tpu.vector_load %arg5[%swap3A_29, %swap3A_30] {strides = array<i32>} : memref<16x512xi32, #tpu.memory_space<vmem>>, vector<16xi32>,
      tpu.vector_store %arg5[%swap3A_29, %swap3A_30], %broadcast_in_dim3A_3 {strides = array<i32>} : memref<16x512xi32, #tpu.memory_space<vmem>>, vector<16xi32>,
      %swap3A_32 = arith.index_cast %scan3A_17 : i32 to index
      %swap3A_33 = arith.constant 80 : index
      %swap3A_34 = tpu.vector_load %arg5[%swap3A_32, %swap3A_33] {strides = array<i32>} : memref<16x512xi32, #tpu.memory_space<vmem>>, vector<16xi32>,
      tpu.vector_store %arg5[%swap3A_32, %swap3A_33], %broadcast_in_dim3A_3 {strides = array<i32>} : memref<16x512xi32, #tpu.memory_space<vmem>>, vector<16xi32>,
      %swap3A_35 = arith.index_cast %scan3A_17 : i32 to index
      %swap3A_36 = arith.constant 96 : index
      %swap3A_37 = tpu.vector_load %arg5[%swap3A_35, %swap3A_36] {strides = array<i32>} : memref<16x512xi32, #tpu.memory_space<vmem>>, vector<16xi32>,
      tpu.vector_store %arg5[%swap3A_35, %swap3A_36], %broadcast_in_dim3A_3 {strides = array<i32>} : memref<16x512xi32, #tpu.memory_space<vmem>>, vector<16xi32>,
      %swap3A_38 = arith.index_cast %scan3A_17 : i32 to index
      %swap3A_39 = arith.constant 112 : index
      %swap3A_40 = tpu.vector_load %arg5[%swap3A_38, %swap3A_39] {strides = array<i32>} : memref<16x512xi32, #tpu.memory_space<vmem>>, vector<16xi32>,
      tpu.vector_store %arg5[%swap3A_38, %swap3A_39], %broadcast_in_dim3A_3 {strides = array<i32>} : memref<16x512xi32, #tpu.memory_space<vmem>>, vector<16xi32>,
      %swap3A_41 = arith.index_cast %scan3A_17 : i32 to index
      %swap3A_42 = arith.constant 128 : index
      %swap3A_43 = tpu.vector_load %arg5[%swap3A_41, %swap3A_42] {strides = array<i32>} : memref<16x512xi32, #tpu.memory_space<vmem>>, vector<16xi32>,
      tpu.vector_store %arg5[%swap3A_41, %swap3A_42], %broadcast_in_dim3A_3 {strides = array<i32>} : memref<16x512xi32, #tpu.memory_space<vmem>>, vector<16xi32>,
      %swap3A_44 = arith.index_cast %scan3A_17 : i32 to index
      %swap3A_45 = arith.constant 144 : index
      %swap3A_46 = tpu.vector_load %arg5[%swap3A_44, %swap3A_45] {strides = array<i32>} : memref<16x512xi32, #tpu.memory_space<vmem>>, vector<16xi32>,
      tpu.vector_store %arg5[%swap3A_44, %swap3A_45], %broadcast_in_dim3A_3 {strides = array<i32>} : memref<16x512xi32, #tpu.memory_space<vmem>>, vector<16xi32>,
      %swap3A_47 = arith.index_cast %scan3A_17 : i32 to index
      %swap3A_48 = arith.constant 160 : index
      %swap3A_49 = tpu.vector_load %arg5[%swap3A_47, %swap3A_48] {strides = array<i32>} : memref<16x512xi32, #tpu.memory_space<vmem>>, vector<16xi32>,
      tpu.vector_store %arg5[%swap3A_47, %swap3A_48], %broadcast_in_dim3A_3 {strides = array<i32>} : memref<16x512xi32, #tpu.memory_space<vmem>>, vector<16xi32>,
      %swap3A_50 = arith.index_cast %scan3A_17 : i32 to index
      %swap3A_51 = arith.constant 176 : index
      %swap3A_52 = tpu.vector_load %arg5[%swap3A_50, %swap3A_51] {strides = array<i32>} : memref<16x512xi32, #tpu.memory_space<vmem>>, vector<16xi32>,
      tpu.vector_store %arg5[%swap3A_50, %swap3A_51], %broadcast_in_dim3A_3 {strides = array<i32>} : memref<16x512xi32, #tpu.memory_space<vmem>>, vector<16xi32>,
      %swap3A_53 = arith.index_cast %scan3A_17 : i32 to index
      %swap3A_54 = arith.constant 192 : index
      %swap3A_55 = tpu.vector_load %arg5[%swap3A_53, %swap3A_54] {strides = array<i32>} : memref<16x512xi32, #tpu.memory_space<vmem>>, vector<16xi32>,
      tpu.vector_store %arg5[%swap3A_53, %swap3A_54], %broadcast_in_dim3A_3 {strides = array<i32>} : memref<16x512xi32, #tpu.memory_space<vmem>>, vector<16xi32>,
      %swap3A_56 = arith.index_cast %scan3A_17 : i32 to index
      %swap3A_57 = arith.constant 208 : index
      %swap3A_58 = tpu.vector_load %arg5[%swap3A_56, %swap3A_57] {strides = array<i32>} : memref<16x512xi32, #tpu.memory_space<vmem>>, vector<16xi32>,
      tpu.vector_store %arg5[%swap3A_56, %swap3A_57], %broadcast_in_dim3A_3 {strides = array<i32>} : memref<16x512xi32, #tpu.memory_space<vmem>>, vector<16xi32>,
      %swap3A_59 = arith.index_cast %scan3A_17 : i32 to index
      %swap3A_60 = arith.constant 224 : index
      %swap3A_61 = tpu.vector_load %arg5[%swap3A_59, %swap3A_60] {strides = array<i32>} : memref<16x512xi32, #tpu.memory_space<vmem>>, vector<16xi32>,
      tpu.vector_store %arg5[%swap3A_59, %swap3A_60], %broadcast_in_dim3A_3 {strides = array<i32>} : memref<16x512xi32, #tpu.memory_space<vmem>>, vector<16xi32>,
      %swap3A_62 = arith.index_cast %scan3A_17 : i32 to index
      %swap3A_63 = arith.constant 240 : index
      %swap3A_64 = tpu.vector_load %arg5[%swap3A_62, %swap3A_63] {strides = array<i32>} : memref<16x512xi32, #tpu.memory_space<vmem>>, vector<16xi32>,
      tpu.vector_store %arg5[%swap3A_62, %swap3A_63], %broadcast_in_dim3A_3 {strides = array<i32>} : memref<16x512xi32, #tpu.memory_space<vmem>>, vector<16xi32>,
      %swap3A_65 = arith.index_cast %scan3A_17 : i32 to index
      %swap3A_66 = arith.constant 256 : index
      %swap3A_67 = tpu.vector_load %arg5[%swap3A_65, %swap3A_66] {strides = array<i32>} : memref<16x512xi32, #tpu.memory_space<vmem>>, vector<16xi32>,
      tpu.vector_store %arg5[%swap3A_65, %swap3A_66], %broadcast_in_dim3A_3 {strides = array<i32>} : memref<16x512xi32, #tpu.memory_space<vmem>>, vector<16xi32>,
      %swap3A_68 = arith.index_cast %scan3A_17 : i32 to index
      %swap3A_69 = arith.constant 272 : index
      %swap3A_70 = tpu.vector_load %arg5[%swap3A_68, %swap3A_69] {strides = array<i32>} : memref<16x512xi32, #tpu.memory_space<vmem>>, vector<16xi32>,
      tpu.vector_store %arg5[%swap3A_68, %swap3A_69], %broadcast_in_dim3A_3 {strides = array<i32>} : memref<16x512xi32, #tpu.memory_space<vmem>>, vector<16xi32>,
      %swap3A_71 = arith.index_cast %scan3A_17 : i32 to index
      %swap3A_72 = arith.constant 288 : index
      %swap3A_73 = tpu.vector_load %arg5[%swap3A_71, %swap3A_72] {strides = array<i32>} : memref<16x512xi32, #tpu.memory_space<vmem>>, vector<16xi32>,
      tpu.vector_store %arg5[%swap3A_71, %swap3A_72], %broadcast_in_dim3A_3 {strides = array<i32>} : memref<16x512xi32, #tpu.memory_space<vmem>>, vector<16xi32>,
      %swap3A_74 = arith.index_cast %scan3A_17 : i32 to index
      %swap3A_75 = arith.constant 304 : index
      %swap3A_76 = tpu.vector_load %arg5[%swap3A_74, %swap3A_75] {strides = array<i32>} : memref<16x512xi32, #tpu.memory_space<vmem>>, vector<16xi32>,
      tpu.vector_store %arg5[%swap3A_74, %swap3A_75], %broadcast_in_dim3A_3 {strides = array<i32>} : memref<16x512xi32, #tpu.memory_space<vmem>>, vector<16xi32>,
      %swap3A_77 = arith.index_cast %scan3A_17 : i32 to index
      %swap3A_78 = arith.constant 320 : index
      %swap3A_79 = tpu.vector_load %arg5[%swap3A_77, %swap3A_78] {strides = array<i32>} : memref<16x512xi32, #tpu.memory_space<vmem>>, vector<16xi32>,
      tpu.vector_store %arg5[%swap3A_77, %swap3A_78], %broadcast_in_dim3A_3 {strides = array<i32>} : memref<16x512xi32, #tpu.memory_space<vmem>>, vector<16xi32>,
      %swap3A_80 = arith.index_cast %scan3A_17 : i32 to index
      %swap3A_81 = arith.constant 336 : index
      %swap3A_82 = tpu.vector_load %arg5[%swap3A_80, %swap3A_81] {strides = array<i32>} : memref<16x512xi32, #tpu.memory_space<vmem>>, vector<16xi32>,
      tpu.vector_store %arg5[%swap3A_80, %swap3A_81], %broadcast_in_dim3A_3 {strides = array<i32>} : memref<16x512xi32, #tpu.memory_space<vmem>>, vector<16xi32>,
      %swap3A_83 = arith.index_cast %scan3A_17 : i32 to index
      %swap3A_84 = arith.constant 352 : index
      %swap3A_85 = tpu.vector_load %arg5[%swap3A_83, %swap3A_84] {strides = array<i32>} : memref<16x512xi32, #tpu.memory_space<vmem>>, vector<16xi32>,
      tpu.vector_store %arg5[%swap3A_83, %swap3A_84], %broadcast_in_dim3A_3 {strides = array<i32>} : memref<16x512xi32, #tpu.memory_space<vmem>>, vector<16xi32>,
      %swap3A_86 = arith.index_cast %scan3A_17 : i32 to index
      %swap3A_87 = arith.constant 368 : index
      %swap3A_88 = tpu.vector_load %arg5[%swap3A_86, %swap3A_87] {strides = array<i32>} : memref<16x512xi32, #tpu.memory_space<vmem>>, vector<16xi32>,
      tpu.vector_store %arg5[%swap3A_86, %swap3A_87], %broadcast_in_dim3A_3 {strides = array<i32>} : memref<16x512xi32, #tpu.memory_space<vmem>>, vector<16xi32>,
      %swap3A_89 = arith.index_cast %scan3A_17 : i32 to index
      %swap3A_90 = arith.constant 384 : index
      %swap3A_91 = tpu.vector_load %arg5[%swap3A_89, %swap3A_90] {strides = array<i32>} : memref<16x512xi32, #tpu.memory_space<vmem>>, vector<16xi32>,
      tpu.vector_store %arg5[%swap3A_89, %swap3A_90], %broadcast_in_dim3A_3 {strides = array<i32>} : memref<16x512xi32, #tpu.memory_space<vmem>>, vector<16xi32>,
      %swap3A_92 = arith.index_cast %scan3A_17 : i32 to index
      %swap3A_93 = arith.constant 400 : index
      %swap3A_94 = tpu.vector_load %arg5[%swap3A_92, %swap3A_93] {strides = array<i32>} : memref<16x512xi32, #tpu.memory_space<vmem>>, vector<16xi32>,
      tpu.vector_store %arg5[%swap3A_92, %swap3A_93], %broadcast_in_dim3A_3 {strides = array<i32>} : memref<16x512xi32, #tpu.memory_space<vmem>>, vector<16xi32>,
      %swap3A_95 = arith.index_cast %scan3A_17 : i32 to index
      %swap3A_96 = arith.constant 416 : index
      %swap3A_97 = tpu.vector_load %arg5[%swap3A_95, %swap3A_96] {strides = array<i32>} : memref<16x512xi32, #tpu.memory_space<vmem>>, vector<16xi32>,
      tpu.vector_store %arg5[%swap3A_95, %swap3A_96], %broadcast_in_dim3A_3 {strides = array<i32>} : memref<16x512xi32, #tpu.memory_space<vmem>>, vector<16xi32>,
      %swap3A_98 = arith.index_cast %scan3A_17 : i32 to index
      %swap3A_99 = arith.constant 432 : index
      %swap3A_100 = tpu.vector_load %arg5[%swap3A_98, %swap3A_99] {strides = array<i32>} : memref<16x512xi32, #tpu.memory_space<vmem>>, vector<16xi32>,
      tpu.vector_store %arg5[%swap3A_98, %swap3A_99], %broadcast_in_dim3A_3 {strides = array<i32>} : memref<16x512xi32, #tpu.memory_space<vmem>>, vector<16xi32>,
      %swap3A_101 = arith.index_cast %scan3A_17 : i32 to index
      %swap3A_102 = arith.constant 448 : index
      %swap3A_103 = tpu.vector_load %arg5[%swap3A_101, %swap3A_102] {strides = array<i32>} : memref<16x512xi32, #tpu.memory_space<vmem>>, vector<16xi32>,
      tpu.vector_store %arg5[%swap3A_101, %swap3A_102], %broadcast_in_dim3A_3 {strides = array<i32>} : memref<16x512xi32, #tpu.memory_space<vmem>>, vector<16xi32>,
      %swap3A_104 = arith.index_cast %scan3A_17 : i32 to index
      %swap3A_105 = arith.constant 464 : index
      %swap3A_106 = tpu.vector_load %arg5[%swap3A_104, %swap3A_105] {strides = array<i32>} : memref<16x512xi32, #tpu.memory_space<vmem>>, vector<16xi32>,
      tpu.vector_store %arg5[%swap3A_104, %swap3A_105], %broadcast_in_dim3A_3 {strides = array<i32>} : memref<16x512xi32, #tpu.memory_space<vmem>>, vector<16xi32>,
      %swap3A_107 = arith.index_cast %scan3A_17 : i32 to index
      %swap3A_108 = arith.constant 480 : index
      %swap3A_109 = tpu.vector_load %arg5[%swap3A_107, %swap3A_108] {strides = array<i32>} : memref<16x512xi32, #tpu.memory_space<vmem>>, vector<16xi32>,
      tpu.vector_store %arg5[%swap3A_107, %swap3A_108], %broadcast_in_dim3A_3 {strides = array<i32>} : memref<16x512xi32, #tpu.memory_space<vmem>>, vector<16xi32>,
      %swap3A_110 = arith.index_cast %scan3A_17 : i32 to index
      %swap3A_111 = arith.constant 496 : index
      %swap3A_112 = tpu.vector_load %arg5[%swap3A_110, %swap3A_111] {strides = array<i32>} : memref<16x512xi32, #tpu.memory_space<vmem>>, vector<16xi32>,
      tpu.vector_store %arg5[%swap3A_110, %swap3A_111], %broadcast_in_dim3A_3 {strides = array<i32>} : memref<16x512xi32, #tpu.memory_space<vmem>>, vector<16xi32>,
    }
    %scan3A_10 = arith.constant 16 : i32
    %scan3A_11 = arith.constant 0 : i32
    %scan3A_12 = arith.constant 0 : i32
    %scan3A_13 = arith.constant 16 : i32
    %scan3A_14 = arith.addi %scan3A_12, %scan3A_13 : i32
    %scan3A_15 = arith.constant 1 : i32
    scf.for %scan3A_17 = %scan3A_12 to %scan3A_14 step %scan3A_15  : i32 {
      %mul3A_18 = arith.constant 16 : i32
      %mul3A_19 = arith.muli %scan3A_17, %mul3A_18 : i32
      %get3A = arith.index_cast %mul3A_19 : i32 to index
      %get3A_20 = tpu.vector_load %arg4[%get3A] {strides = array<i32>} : memref<256xi32, #tpu.memory_space<vmem>>, vector<16xi32>,
      tpu.vector_store_idx %arg5[%iota3A, %get3A_20], %broadcast_in_dim3A_5 : memref<16x512xi32, #tpu.memory_space<vmem>>[vector<16xi32>, vector<16xi32>], vector<16xi32>,
      %mul3A_21 = arith.constant 16 : i32
      %mul3A_22 = arith.muli %scan3A_17, %mul3A_21 : i32
      %add3A_23 = arith.addi %mul3A_2, %mul3A_22 : i32
      "tpu.region"() ({
        %run_scoped3A = tpu.sem_alloc : memref<!tpu.dma_semaphore, #tpu.memory_space<semaphore_mem>>
        %dma_start3A = arith.constant 0 : i32
        %dma_start3A_24 = tpu.memref_slice %arg3[%add3A_23, %dma_start3A] : memref<8192x512xi32, #tpu.memory_space<hbm>> -> memref<16x512xi32, #tpu.memory_space<hbm>>
        %dma_start3A_25 = arith.constant 0 : i32
        %dma_start3A_26 = tpu.memref_slice %arg3[%add3A_23, %dma_start3A_25] : memref<8192x512xi32, #tpu.memory_space<hbm>> -> memref<16x512xi32, #tpu.memory_space<hbm>>
        tpu.enqueue_dma source(%arg5 : memref<16x512xi32, #tpu.memory_space<vmem>>) target(%dma_start3A_26 : memref<16x512xi32, #tpu.memory_space<hbm>>) target_semaphore(%run_scoped3A : memref<!tpu.dma_semaphore, #tpu.memory_space<semaphore_mem>>)
        %dma_wait3A = arith.constant 0 : i32
        %dma_wait3A_27 = tpu.memref_slice %arg3[%add3A_23, %dma_wait3A] : memref<8192x512xi32, #tpu.memory_space<hbm>> -> memref<16x512xi32, #tpu.memory_space<hbm>>
        %dma_wait3A_28 = arith.constant 0 : i32
        %dma_wait3A_29 = tpu.memref_slice %arg3[%add3A_23, %dma_wait3A_28] : memref<8192x512xi32, #tpu.memory_space<hbm>> -> memref<16x512xi32, #tpu.memory_space<hbm>>
        tpu.wait_dma2 semaphore(%run_scoped3A : memref<!tpu.dma_semaphore, #tpu.memory_space<semaphore_mem>>) src(%arg5 : memref<16x512xi32, #tpu.memory_space<vmem>>) dst(%dma_wait3A_29 : memref<16x512xi32, #tpu.memory_space<hbm>>)
        tpu.yield
      }) : () -> ()
      tpu.vector_store_idx %arg5[%iota3A, %get3A_20], %broadcast_in_dim3A_3 : memref<16x512xi32, #tpu.memory_space<vmem>>[vector<16xi32>, vector<16xi32>], vector<16xi32>,
    }
    %scan3A_16 = arith.constant 16 : i32
    return
  }
}

module attributes {stable_mosaic.version = 14 : i64} {
  func.func @_label_body(%arg0: i32, %arg1: memref<1x256x1024xf32, #tpu.memory_space<vmem>>, %arg2: memref<512x256xf32, #tpu.memory_space<vmem>>, %arg3: memref<1024x1xi32, #tpu.memory_space<vmem>>) attributes {dimension_semantics = [#tpu.dimension_semantics<arbitrary>], iteration_bounds = array<i64: 8>, scalar_prefetch = 0 : i64, scratch_operands = 0 : i64, tpu.core_type = #tpu.core_type<tc>, window_params = [{transform_indices = @transform_0, window_bounds = array<i64: 1, 256, 1024>}, {pipeline_mode = #tpu.pipeline_mode<synchronous>, transform_indices = @transform_1, window_bounds = array<i64: 512, 256>}, {transform_indices = @transform_2, window_bounds = array<i64: 1024, 1>}]} {
    %get3A = arith.constant 0 : index
    %get3A_0 = arith.constant 0 : index
    %get3A_1 = arith.constant 0 : index
    %get3A_2 = vector.load %arg1[%get3A, %get3A_0, %get3A_1] : memref<1x256x1024xf32, #tpu.memory_space<vmem>>, vector<1x256x1024xf32>
    %get3A_3 = vector.shape_cast %get3A_2 : vector<1x256x1024xf32> to vector<256x1024xf32>
    %transpose3A = tpu.transpose %get3A_3, [1, 0] : vector<256x1024xf32> -> vector<1024x256xf32>
    %get3A_4 = arith.constant 0 : index
    %get3A_5 = arith.constant 0 : index
    %get3A_6 = vector.load %arg2[%get3A_4, %get3A_5] : memref<512x256xf32, #tpu.memory_space<vmem>>, vector<512x256xf32>
    %dot_general3A = arith.constant dense<0.000000e+00> : vector<1024x512xf32>
    %dot_general3A_7 = tpu.matmul %transpose3A, %get3A_6, %dot_general3A {dimension_numbers = #tpu.dot_dimension_numbers<[1], [1], [0], [0], [0, 0, 1, 0], [], []>, transpose_lhs_hint = false} : vector<1024x256xf32>, vector<512x256xf32>, vector<1024x512xf32> -> vector<1024x512xf32>
    %mul3A = arith.mulf %transpose3A, %transpose3A : vector<1024x256xf32>
    %reduce_sum3A = arith.constant dense<0.000000e+00> : vector<1024xf32>
    %reduce_sum3A_8 = vector.multi_reduction <add>, %mul3A, %reduce_sum3A [1] : vector<1024x256xf32> to vector<1024xf32>
    %broadcast_in_dim3A = vector.shape_cast %reduce_sum3A_8 : vector<1024xf32> to vector<1024x1xf32>
    %mul3A_9 = arith.mulf %get3A_6, %get3A_6 : vector<512x256xf32>
    %reduce_sum3A_10 = arith.constant dense<0.000000e+00> : vector<512xf32>
    %reduce_sum3A_11 = vector.multi_reduction <add>, %mul3A_9, %reduce_sum3A_10 [1] : vector<512x256xf32> to vector<512xf32>
    %broadcast_in_dim3A_12 = vector.shape_cast %reduce_sum3A_11 : vector<512xf32> to vector<1x512xf32>
    %mul3A_13 = arith.constant 2.000000e+00 : f32
    %mul3A_14 = vector.broadcast %mul3A_13 : f32 to vector<1024x512xf32>
    %mul3A_15 = arith.mulf %mul3A_14, %dot_general3A_7 : vector<1024x512xf32>
    %sub3A = vector.broadcast %broadcast_in_dim3A : vector<1024x1xf32> to vector<1024x512xf32>
    %sub3A_16 = arith.subf %sub3A, %mul3A_15 : vector<1024x512xf32>
    %add3A = vector.broadcast %broadcast_in_dim3A_12 : vector<1x512xf32> to vector<1024x512xf32>
    %add3A_17 = arith.addf %sub3A_16, %add3A : vector<1024x512xf32>
    %max3A = arith.constant 0.000000e+00 : f32
    %max3A_18 = vector.broadcast %max3A : f32 to vector<1024x512xf32>
    %max3A_19 = arith.maximumf %add3A_17, %max3A_18 : vector<1024x512xf32>
    %sqrt3A = math.sqrt %max3A_19 : vector<1024x512xf32>
    %le3A = arith.constant 2.150000e+01 : f32
    %le3A_20 = vector.broadcast %le3A : f32 to vector<1024x512xf32>
    %le3A_21 = arith.cmpf ole, %sqrt3A, %le3A_20 : vector<1024x512xf32>
    %iota3A = tpu.iota {dimensions = array<i32: 1>} : vector<1024x512xi32>
    %jit3A = arith.constant 0 : i32
    %broadcast_in_dim3A_22 = vector.broadcast %jit3A : i32 to vector<1024x512xi32>
    %select_n3A = arith.select %le3A_21, %iota3A, %broadcast_in_dim3A_22 : vector<1024x512xi1>, vector<1024x512xi32>
    %reduce_max3A = arith.constant dense<-2147483648> : vector<1024xi32>
    %reduce_max3A_23 = vector.multi_reduction <maxsi>, %select_n3A, %reduce_max3A [1] : vector<1024x512xi32> to vector<1024xi32>
    %broadcast_in_dim3A_24 = vector.shape_cast %reduce_max3A_23 : vector<1024xi32> to vector<1024x1xi32>
    %swap3A = arith.constant 0 : index
    %swap3A_25 = arith.constant 0 : index
    %swap3A_26 = vector.load %arg3[%swap3A, %swap3A_25] : memref<1024x1xi32, #tpu.memory_space<vmem>>, vector<1024x1xi32>
    tpu.vector_store %arg3[%swap3A, %swap3A_25], %broadcast_in_dim3A_24 {strides = array<i32>} : memref<1024x1xi32, #tpu.memory_space<vmem>>, vector<1024x1xi32>,
    return
  }
  func.func @transform_0(%arg0: i32) -> (i32, i32, i32) {
    %c0_i32 = arith.constant 0 : i32
    %c0_i32_0 = arith.constant 0 : i32
    %c0_i32_1 = arith.constant 0 : i32
    return %arg0, %c0_i32, %c0_i32_0 : i32, i32, i32
  }
  func.func @transform_1(%arg0: i32) -> (i32, i32) {
    %c0_i32 = arith.constant 0 : i32
    %c0_i32_0 = arith.constant 0 : i32
    %c0_i32_1 = arith.constant 0 : i32
    return %c0_i32, %c0_i32_0 : i32, i32
  }
  func.func @transform_2(%arg0: i32) -> (i32, i32) {
    %c0_i32 = arith.constant 0 : i32
    %c0_i32_0 = arith.constant 0 : i32
    return %arg0, %c0_i32 : i32, i32
  }
}

</mosaic_0001>

<sc_bundles>
// kernel: kernel.4.cloned.1.call-start
scs
__scs_entry_jumppad:
0x0: {  	(pc) =	sbr.rel $0x88, $3  }
0x1: {  	(tag) =	ssettag $0x0;
	lr =	simm.s32 $0x1  }
0x2: {  	[smem:$0x3F9F] =	sst lr;
	_ =	strace $0xD0000000  }
0x3: {  	_ = 	snop  }
0x4: {  	_ = 	snop  }
0x5: {  	_ = 	snop  }
0x6: {  	_ = 	snop  }
0x7: {  	_ = 	snop  }
__scs_overlays_trampoline_lowered:
0x8: {  	[smem:$0x3FAE] =	sst s0  }
0x9: {  	[smem:$0x3FAF] =	sst s1  }
0xa: {  	[smem:$0x3FB0] =	sst s2  }
0xb: {  	[smem:$0x3FB1] =	sst s3  }
0xc: {  	[smem:$0x3FB2] =	sst s4  }
0xd: {  	[smem:$0x3FB3] =	sst s5  }
0xe: {  	[smem:$0x3FB4] =	sst s6  }
0xf: {  	[smem:$0x3FB5] =	sst s7  }
0x10: {  	[smem:$0x3FB6] =	sst s8  }
0x11: {  	[smem:$0x3FB7] =	sst s9;
	s0 =	simm.s32 @!p0 $0x0  }
0x12: {  	s1 =	sld [smem:$0x3F9D];
	s0 =	simm.s32 @p0 $0x1  }
0x13: {  	[smem:$0x3FB8] =	sst s0;
	s0 =	simm.s32 @!p1 $0x0  }
0x14: {  	s2 =	sld [smem:$0x3F9C];
	s0 =	simm.s32 @p1 $0x1  }
0x15: {  	[smem:$0x3FB9] =	sst s0;
	s0 =	simm.s32 @!p2 $0x0  }
0x16: {  	s3 =	sld [smem:$0x3FDB];
	s0 =	simm.s32 @p2 $0x1  }
0x17: {  	s4 =	simm.s32 $0x1BF5;
	[smem:$0x3FBB] =	sst s0  }
0x18: {  	s0 =	sld [smem:$0x3F9E];
	_ =	swait.ge [sflag:s4], $0x0  }
0x19: {  	s7 =	sld [smem:$0x3F9F]  }
0x1a: {  	s8 =	sadd.s32 $0xFFFFE003, lr  }
0x1b: {  	s9 =	sadd.s32 $0xFFFFFEF7, lr;
	s5 =	simm.s32 $0xFFFFFFFF;
	p2 =	slt.u32 s8, $0xFFFFF086  }
0x1c: {  	p1 =	slt.u32 s9, $0xF7A;
	s5 =	simm.s32 @!p2 $0x0  }
0x1d: {  	s5 =	simm.s32 @p1 $0x1;
	p0 =	seq.s32 s7, s2  }
0x1e: {  	s7 =	smul.u32 @!p0 $0xF7A, s2;
	p2 =	seq.s32 @!p0 s5, $0x0  }
0x1f: {  	s9 =	smul.u32 $0xF7A, s1;
	s8 =	simm.s32 @!p0 $0x1BF5;
	p2 =	por !p2, p0  }
0x20: {  	[sflag:s8] =	ssyncset.s32 @!p0 $0xFFFFF086;
	s6 =	sadd.s32 @!p0 s3, s7;
	s7 =	simm.s32 @!p0 $0x108  }
0x21: {  	s3 =	sadd.s32 s3, s9;
	s6 =	sadd.s32 @!p0 $0x88, s6;
	s7 =	simm.s32 @p2 $0x1082  }
0x22: {  	[simem:s7], [sflag:s8] =	dma.local @!p0 [hbm:s6], $0xF7A  }
0x23: {  	s9 =	sor.u32 $0xD0000000, s2;
	s6 =	simm.s32 $0x108;
	_ =	swait.ge @!p0 [sflag:s8], $0x0  }
0x24: {  	s3 =	sadd.s32 $0x88, s3;
	s6 =	simm.s32 @!p1 $0x1082;
	[sflag:s4] =	ssyncset.s32 $0xFFFFF086  }
0x25: {  	[simem:s6], [sflag:s4] =	dma.local [hbm:s3], $0xF7A  }
0x26: {  	[smem:$0x3F9F] =	sst s1;
	(tag) =	ssettag s2;
	_ =	strace s9  }
0x27: {  	s1 =	sld [smem:$0x3FAF]  }
0x28: {  	s2 =	sld [smem:$0x3FB0]  }
0x29: {  	s4 =	sld [smem:$0x3FB2]  }
0x2a: {  	p0 =	seq.s32 s5, $0x0;
	s5 =	sld [smem:$0x3FB3]  }
0x2b: {  	s6 =	sld [smem:$0x3FB4]  }
0x2c: {  	s7 =	sld [smem:$0x3FB5]  }
0x2d: {  	s3 =	simm.s32 $0x108;
	s8 =	sld [smem:$0x3FB6]  }
0x2e: {  	s3 =	simm.s32 @!p0 $0x1082;
	s9 =	sld [smem:$0x3FB7]  }
0x2f: {  	lr =	sadd.s32 s0, s3;
	s0 =	sld [smem:$0x3FAE]  }
0x30: {  	s3 =	sld [smem:$0x3FB1]  }
0x31: {  	[smem:$0x3FBA] =	sst s10  }
0x32: {  	s10 =	sld [smem:$0x3FB8];
	_ =	sdelay $0x3  }
0x33: {  	p0 =	seq.s32 s10, $0x1;
	s10 =	sld [smem:$0x3FBA];
	_ =	sdelay $0x3  }
0x34: {  	[smem:$0x3FBA] =	sst s10  }
0x35: {  	s10 =	sld [smem:$0x3FB9];
	_ =	sdelay $0x3  }
0x36: {  	p1 =	seq.s32 s10, $0x1;
	s10 =	sld [smem:$0x3FBA];
	_ =	sdelay $0x3  }
0x37: {  	[smem:$0x3FBA] =	sst s10  }
0x38: {  	s10 =	sld [smem:$0x3FBB]  }
0x39: {  	_ = 	snop;
	(pc) =	sbr.ind lr, $3  }
0x3a: {  	_ = 	snop  }
0x3b: {  	_ = 	snop  }
0x3c: {  	p2 =	seq.s32 s10, $0x1;
	s10 =	sld [smem:$0x3FBA]  }
0x3d: {  	_ =	shalt  }
0x3e: {  	_ =	shalt  }
0x3f: {  	_ =	shalt  }
0x40: {  	_ =	shalt  }
0x41: {  	_ =	shalt  }
0x42: {  	_ =	shalt  }
0x43: {  	_ =	shalt  }
0x44: {  	_ =	shalt  }
0x45: {  	_ =	shalt  }
0x46: {  	_ =	shalt  }
0x47: {  	_ =	shalt  }
0x48: {  	_ =	shalt  }
0x49: {  	_ =	shalt  }
0x4a: {  	_ =	shalt  }
0x4b: {  	_ =	shalt  }
0x4c: {  	_ =	shalt  }
0x4d: {  	_ =	shalt  }
0x4e: {  	_ =	shalt  }
0x4f: {  	_ =	shalt  }
0x50: {  	_ =	shalt  }
0x51: {  	_ =	shalt  }
0x52: {  	_ =	shalt  }
0x53: {  	_ =	shalt  }
0x54: {  	_ =	shalt  }
0x55: {  	_ =	shalt  }
0x56: {  	_ =	shalt  }
0x57: {  	_ =	shalt  }
0x58: {  	_ =	shalt  }
0x59: {  	_ =	shalt  }
0x5a: {  	_ =	shalt  }
0x5b: {  	_ =	shalt  }
0x5c: {  	_ =	shalt  }
0x5d: {  	_ =	shalt  }
0x5e: {  	_ =	shalt  }
0x5f: {  	_ =	shalt  }
0x60: {  	_ =	shalt  }
0x61: {  	_ =	shalt  }
0x62: {  	_ =	shalt  }
0x63: {  	_ =	shalt  }
0x64: {  	_ =	shalt  }
0x65: {  	_ =	shalt  }
0x66: {  	_ =	shalt  }
0x67: {  	_ =	shalt  }
0x68: {  	_ =	shalt  }
0x69: {  	_ =	shalt  }
0x6a: {  	_ =	shalt  }
0x6b: {  	_ =	shalt  }
0x6c: {  	_ =	shalt  }
0x6d: {  	_ =	shalt  }
0x6e: {  	_ =	shalt  }
0x6f: {  	_ =	shalt  }
0x70: {  	_ =	shalt  }
0x71: {  	_ =	shalt  }
0x72: {  	_ =	shalt  }
0x73: {  	_ =	shalt  }
0x74: {  	_ =	shalt  }
0x75: {  	_ =	shalt  }
0x76: {  	_ =	shalt  }
0x77: {  	_ =	shalt  }
0x78: {  	_ =	shalt  }
0x79: {  	_ =	shalt  }
0x7a: {  	_ =	shalt  }
0x7b: {  	_ =	shalt  }
0x7c: {  	_ =	shalt  }
0x7d: {  	_ =	shalt  }
0x7e: {  	_ =	shalt  }
0x7f: {  	_ =	shalt  }
0x80: {  	_ =	shalt  }
0x81: {  	_ =	shalt  }
0x82: {  	_ =	shalt  }
0x83: {  	_ =	shalt  }
0x84: {  	_ =	shalt  }
0x85: {  	_ =	shalt  }
0x86: {  	_ =	shalt  }
0x87: {  	_ =	shalt  }
.Lfunc_end0:
.L_simem_size_0:
called_computation_lowered:
.L_overlay_start_0:
0x88: {  	s2 =	sld [smem:$0x3FD9]  }
0x89: {  	s3 =	sld [smem:$0x3FFE];
	_ =	sdelay $0x1  }
0x8a: {  	s1 =	srdreg.scid  }
0x8b: {  	s0 =	sand.u32 $0x1, s1  }
0x8c: {  	s17 =	sshll.u32 s0, $0xA;
	s2 =	sadd.s32 s3, s2  }
0x8d: {  	s2 =	sadd.s32 s2, s17  }
0x8e: {  	[smem:$0x3FC6] =	sst s2  }
0x8f: {  	_ = 	snop  }
0x90: {  	s2 =	sld [smem:$0x3FD0];
	(tm) =	ssettm $0x1  }
0x91: {  	s18 =	sld [smem:$0x3FFB];
	_ =	sdelay $0x3  }
0x92: {  	_ =	strace s18  }
0x93: {  	s3 =	sld [smem:$0x3FFC];
	_ =	sdelay $0x3  }
0x94: {  	_ =	strace s3  }
0x95: {  	s3 =	sld [smem:$0x3FFD];
	_ =	sdelay $0x3  }
0x96: {  	_ =	strace s3  }
0x97: {  	_ =	strace $0x8FFFFFFF  }
0x98: {  	s19 =	sld [smem:$0x3FDB];
	_ =	sdelay $0x1  }
0x99: {  	s4 =	simm.s32 $_scs_section_size  }
0x9a: {  	s5 =	simm.s32 $_size__tile_overlayer_lowered;
	s6 =	simm.s32 $_tile_overlayer_lowered  }
0x9b: {  	s22 =	simm.s32 $0x1BFF;
	s21 =	sshll.u32 s6, $0x1;
	s3 =	sadd.s32 s4, s19  }
0x9c: {  	s7 =	simm.s32 $0x0;
	s20 =	sshll.u32 s5, $0x1;
	s5 =	sadd.s32 s21, s3  }
0x9d: {  	[timem:s7], [sflag:s22] =	dma.local [hbm:s5], s20  }
0x9e: {  	_ =	swait.ge [sflag:s22], s20  }
0x9f: {  	s4 =	ssub.s32 $0x0, s20;
	[sflag:s22] =	ssyncset.done $0x0  }
0xa0: {  	[sflag:s22] =	ssyncadd.s32 s4;
	_ =	sdelay $0x1  }
0xa1: {  	s23 =	simm.s32 $0x1B8B  }
0xa2: {  	_ =	swait.ge [sflag:s23], $0x1  }
0xa3: {  	[sflag:s23] =	ssyncset.done $0x0  }
0xa4: {  	s25 =	simm.s32 $0x1B8E;
	s24 =	sld [smem:$0x3FFE];
	[sflag:s23] =	ssyncadd.s32 $0xFFFFFFFF  }
0xa5: {  	s26 =	simm.s32 $execute0_lowered;
	[smem:$0x3FD2] =	sst s25  }
0xa6: {  	s5 =	sshll.u32 s26, $0x1;
	_ =	strace $0x80000046;
	[dreg:$0x1] =	wrdreg $0xFFFFFFFF  }
0xa7: {  	s28 =	simm.s32 $_size_execute0_lowered;
	s3 =	sadd.s32 s3, s5;
	[dreg:$0x0] =	wrdreg $0x0  }
0xa8: {  	s5 =	sshll.u32 s28, $0x1;
	[dreg:$0x2] =	wrdreg s3  }
0xa9: {  	[dreg:$0x3] =	wrdreg s5  }
0xaa: {  	[dreg:$0x4] =	wrdreg $0xC0  }
0xab: {  	_ =	task [dreg:s7], $0x5FFFF  }
0xac: {  	[dreg:$0x1] =	wrdreg $0xFFFFFFFF  }
0xad: {  	[dreg:$0x0] =	wrdreg $0x60  }
0xae: {  	[dreg:$0x2] =	wrdreg s2  }
0xaf: {  	[dreg:$0x3] =	wrdreg s24  }
0xb0: {  	[dreg:$0x4] =	wrdreg $0x9  }
0xb1: {  	_ =	task.clear_ibuf [dreg:s7], $0x5FFFF;
	_ =	strace $0x90000046  }
0xb2: {  	s29 =	simm.s32 $0x9;
	_ =	strace $0x80000048  }
0xb3: {  	_ =	swait.ge [sflag:s29], $0x1  }
0xb4: {  	[sflag:s29] =	ssyncadd.s32 $0xFFFFFFFF  }
0xb5: {  	_ =	strace $0x90000048  }
0xb6: {  	_ =	sfence  }
0xb7: {  	s30 =	sld [smem:$0x0];
	_ =	sdelay $0x2  }
0xb8: {  	s31 =	sshll.u32 s1, $0xD;
	s1 =	sshrl.u32 s1, $0x2  }
0xb9: {  	s3 =	sand.u32 $0x4000, s31;
	s1 =	sadd.s32 s1, s30  }
0xba: {  	s0 =	sor.u32 s3, s0;
	s1 =	sshll.u32 s1, $0x11  }
0xbb: {  	s0 =	sor.u32 s1, s0  }
0xbc: {  	s0 =	sadd.s32 $0x8F2B, s0  }
0xbd: {  	[sflag:s0] =	ssyncadd.remote.s32 $0x1  }
0xbe: {  	_ =	sfence.sel $0xFFFF  }
0xbf: {  	[dreg:$0x0] =	wrdreg $0xFFFFFFFF;
	(pc) =	sbr.abs _section_cstart, $3  }
0xc0: {  	[dreg:$0x1] =	wrdreg $0xFFFFFFFF  }
0xc1: {  	_ =	task.clear_ibuf [dreg:s7], $0x2FFFF;
	_ =	strace $0x9FFFFFFF  }
0xc2: {  	(tm) =	ssettm $0x7FFFFFFF  }
0xc3: {  	_ =	shalt  }
tec
execute0_lowered:
.L_overlay_start_1:
0x0: {  	(tag) =	ssettag $0x1  }
0x1: {  	s3 =	rddreg [dreg:$0x0]  }
0x2: {  	s0 =	srdreg.scid;
	s4 =	rddreg [dreg:$0x1];
	s2 =	simm.s32 $0x0  }
0x3: {  	s1 =	stileid.u32;
	s5 =	sand.u32 $0x1, s0;
	s0 =	rddreg [dreg:$0x2]  }
0x4: {  	[smem:$0x7FF] =	sst s2;
	s30 =	sshll.u32 s1, $0x9;
	s6 =	ssub.s32 $0x2, s5  }
0x5: {  	s31 =	sshll.u32 s1, $0xF;
	s8 =	sshll.u32 s5, $0x8;
	s7 =	sshrl.u32 s6, $0x1  }
0x6: {  	_ =	strace $0x80000047;
	s6 =	ssub.s32 s6, s7;
	s7 =	sor.u32 s8, s30  }
0x7: {  	s5 =	sshll.u32 s5, $0xE;
	s8 =	sadd.s32 s31, s4;
	s7 =	sshrl.u32 s7, $0x3  }
0x8: {  	v1 =	vlaneseq.u32;
	s4 =	smax.u32 s6, $0x1;
	s5 =	sadd.s32 s5, s8;
	s6 =	simm.s32 $0x1  }
0x9: {  	v0 =	vimm.s32 $0x0;
	v2 =	vimm.s32 $0x1;
	v1 =	vmul.u32 $0x200, v1;
	s8 =	simm.s32 $0x0;
	s3 =	sadd.s32 s3, s7;
	s7 =	simm.s32 $0x100  }
.LBB2_1:
0xa: {  	[tilespmem:s2], [sflag:$0x1] =	stream.linear.gather [hbm4b:s3+s2], $0x100, $0x38;
	[tilespmem:$0x2100] =	vst v63  }
0xb: {  	_ =	swait.ge [sflag:s6], $0x100  }
0xc: {  	[sflag:s6] =	ssyncset.done $0x0  }
0xd: {  	s9 =	simm.s32 $0x0;
	s10 =	simm.s32 $0x800;
	[sflag:s6] =	ssyncadd.s32 $0xFFFFFF00  }
.LBB2_2:
0xe: {  	p0 =	sne.s32 s10, $0x7800;
	[tilespmem:s9+$0x2F0] =	vst v0  }
0xf: {  	[tilespmem:s9+$0x100] =	vst v0  }
0x10: {  	[tilespmem:s9+$0x110] =	vst v0  }
0x11: {  	[tilespmem:s9+$0x120] =	vst v0  }
0x12: {  	[tilespmem:s9+$0x130] =	vst v0  }
0x13: {  	[tilespmem:s9+$0x140] =	vst v0  }
0x14: {  	[tilespmem:s9+$0x150] =	vst v0  }
0x15: {  	[tilespmem:s9+$0x160] =	vst v0  }
0x16: {  	[tilespmem:s9+$0x170] =	vst v0  }
0x17: {  	[tilespmem:s9+$0x180] =	vst v0  }
0x18: {  	[tilespmem:s9+$0x190] =	vst v0  }
0x19: {  	[tilespmem:s9+$0x1A0] =	vst v0  }
0x1a: {  	[tilespmem:s9+$0x1B0] =	vst v0  }
0x1b: {  	[tilespmem:s9+$0x1C0] =	vst v0  }
0x1c: {  	[tilespmem:s9+$0x1D0] =	vst v0  }
0x1d: {  	[tilespmem:s9+$0x1E0] =	vst v0  }
0x1e: {  	[tilespmem:s9+$0x1F0] =	vst v0  }
0x1f: {  	[tilespmem:s9+$0x200] =	vst v0  }
0x20: {  	[tilespmem:s9+$0x210] =	vst v0  }
0x21: {  	[tilespmem:s9+$0x220] =	vst v0  }
0x22: {  	[tilespmem:s9+$0x230] =	vst v0  }
0x23: {  	[tilespmem:s9+$0x240] =	vst v0  }
0x24: {  	[tilespmem:s9+$0x250] =	vst v0  }
0x25: {  	[tilespmem:s9+$0x260] =	vst v0  }
0x26: {  	[tilespmem:s9+$0x270] =	vst v0  }
0x27: {  	[tilespmem:s9+$0x280] =	vst v0  }
0x28: {  	[tilespmem:s9+$0x290] =	vst v0  }
.Ltmp0:
0x29: {  	[tilespmem:s9+$0x2A0] =	vst v0;
	(pc) =	sbr.rel @p0 .LBB2_2-.Ltmp0, $4  }
0x2a: {  	[tilespmem:s9+$0x2B0] =	vst v0  }
0x2b: {  	[tilespmem:s9+$0x2C0] =	vst v0  }
0x2c: {  	[tilespmem:s9+$0x2D0] =	vst v0  }
0x2d: {  	[tilespmem:s9+$0x2E0] =	vst v0;
	s9 =	sshra.s32 s10, $0x2;
	s10 =	sadd.s32 $0x800, s10  }
0x2e: {  	[tilespmem:s9+$0x2F0] =	vst v0  }
0x2f: {  	[tilespmem:s9+$0x100] =	vst v0  }
0x30: {  	[tilespmem:s9+$0x110] =	vst v0  }
0x31: {  	[tilespmem:s9+$0x120] =	vst v0  }
0x32: {  	[tilespmem:s9+$0x130] =	vst v0  }
0x33: {  	[tilespmem:s9+$0x140] =	vst v0  }
0x34: {  	[tilespmem:s9+$0x150] =	vst v0  }
0x35: {  	[tilespmem:s9+$0x160] =	vst v0  }
0x36: {  	[tilespmem:s9+$0x170] =	vst v0  }
0x37: {  	[tilespmem:s9+$0x180] =	vst v0  }
0x38: {  	[tilespmem:s9+$0x190] =	vst v0  }
0x39: {  	[tilespmem:s9+$0x1A0] =	vst v0  }
0x3a: {  	[tilespmem:s9+$0x1B0] =	vst v0  }
0x3b: {  	[tilespmem:s9+$0x1C0] =	vst v0  }
0x3c: {  	[tilespmem:s9+$0x1D0] =	vst v0  }
0x3d: {  	[tilespmem:s9+$0x1E0] =	vst v0  }
0x3e: {  	[tilespmem:s9+$0x1F0] =	vst v0  }
0x3f: {  	[tilespmem:s9+$0x200] =	vst v0  }
0x40: {  	[tilespmem:s9+$0x210] =	vst v0  }
0x41: {  	[tilespmem:s9+$0x220] =	vst v0  }
0x42: {  	[tilespmem:s9+$0x230] =	vst v0  }
0x43: {  	[tilespmem:s9+$0x240] =	vst v0  }
0x44: {  	[tilespmem:s9+$0x250] =	vst v0  }
0x45: {  	[tilespmem:s9+$0x260] =	vst v0  }
0x46: {  	[tilespmem:s9+$0x270] =	vst v0  }
0x47: {  	[tilespmem:s9+$0x280] =	vst v0  }
0x48: {  	[tilespmem:s9+$0x290] =	vst v0  }
0x49: {  	[tilespmem:s9+$0x2A0] =	vst v0  }
0x4a: {  	[tilespmem:s9+$0x2B0] =	vst v0  }
0x4b: {  	[tilespmem:s9+$0x2C0] =	vst v0  }
0x4c: {  	[tilespmem:s9+$0x2D0] =	vst v0  }
0x4d: {  	[tilespmem:s9+$0x2E0] =	vst v0;
	s31 =	simm.s32 $0x0  }
0x4e: {  	v3 =	vld [tilespmem:s31+$0x0];
	_ =	sdelay $0x4  }
0x4f: {  	v3 =	vadd.s32 v1, v3;
	_ =	sdelay $0x4  }
0x50: {  	[tilespmem:v3+s7+$0x0] =	vst.idx.msk $0xffff, v2  }
0x51: {  	[hbm4b:s5+s2] =	stream.linear.scatter [tilespmem:s7], [sflag:$0x1], $0x2000, $0x38;
	[tilespmem:$0x2100] =	vst v63  }
0x52: {  	_ =	swait.ge [sflag:s6], $0x2000  }
0x53: {  	s10 =	simm.s32 $0x40;
	[sflag:s6] =	ssyncset.done $0x0  }
0x54: {  	s11 =	simm.s32 $0x80;
	s9 =	smov.u32 s5;
	[sflag:s6] =	ssyncadd.s32 $0xFFFFE000  }
.LBB2_4:
0x55: {  	s12 =	sshra.s32 s10, $0x2  }
0x56: {  	[tilespmem:v3+s7+$0x0] =	vst.idx.msk $0xffff, v0;
	s9 =	sadd.s32 $0x400, s9;
	s10 =	smov.u32 s11;
	s13 =	sadd.s32 $0x40, s11  }
0x57: {  	p0 =	sne.s32 s11, $0x3C0;
	v3 =	vld [tilespmem:s12+$0x0];
	_ =	sdelay $0x4  }
0x58: {  	v3 =	vadd.s32 v1, v3;
	_ =	sdelay $0x4  }
.Ltmp1:
0x59: {  	[tilespmem:v3+s7+$0x0] =	vst.idx.msk $0xffff, v2;
	(pc) =	sbr.rel @p0 .LBB2_4-.Ltmp1, $4  }
0x5a: {  	[hbm4b:s9+s2] =	stream.linear.scatter [tilespmem:s7], [sflag:$0x1], $0x2000, $0x38;
	[tilespmem:$0x2100] =	vst v63  }
0x5b: {  	_ =	swait.ge [sflag:s6], $0x2000  }
0x5c: {  	[sflag:s6] =	ssyncset.done $0x0  }
0x5d: {  	s11 =	smov.u32 s13;
	[sflag:s6] =	ssyncadd.s32 $0xFFFFE000  }
0x5e: {  	_ =	sdelay $0x3  }
0x5f: {  	s10 =	sshra.s32 s10, $0x2;
	[tilespmem:v3+s7+$0x0] =	vst.idx.msk $0xffff, v0  }
0x60: {  	v3 =	vld [tilespmem:s10+$0x0];
	_ =	sdelay $0x4  }
0x61: {  	v3 =	vadd.s32 v1, v3;
	_ =	sdelay $0x3  }
0x62: {  	s8 =	sadd.s32 $0x1, s8  }
0x63: {  	s9 =	sadd.s32 $0x400, s9;
	p0 =	sne.s32 s8, s4;
	[tilespmem:v3+s7+$0x0] =	vst.idx.msk $0xffff, v2  }
0x64: {  	[hbm4b:s9+s2] =	stream.linear.scatter [tilespmem:s7], [sflag:$0x1], $0x2000, $0x38;
	[tilespmem:$0x2100] =	vst v63  }
.Ltmp2:
0x65: {  	_ = 	snop;
	(pc) =	sbr.rel @p0 .LBB2_1-.Ltmp2, $4  }
0x66: {  	_ =	swait.ge [sflag:s6], $0x2000  }
0x67: {  	[sflag:s6] =	ssyncset.done $0x0  }
0x68: {  	[sflag:s6] =	ssyncadd.s32 $0xFFFFE000  }
0x69: {  	[tilespmem:v3+s7+$0x0] =	vst.idx.msk $0xffff, v0  }
0x6a: {  	_ =	sfence.sel $0x180000  }
0x6b: {  	[bflag:$0x0] =	sbarrier.arrive $0xFFFF  }
0x6c: {  	p0 =	sne.s32 s1, $0x0;
	_ =	strace $0x90000047  }
0x6d: {  	s0 =	sadd.s32 @!p0 $0x100000, s0;
	[bflag:$0x2] =	sbarrier.arrive $0xFFFF  }
0x6e: {  	[sflag:s0] =	ssyncadd.tile.s32 @!p0 $0x1;
	_ =	shalt  }
.Lfunc_end2:
_tile_overlayer_lowered:
.L_overlay_start_2:
0x6f: {  	(tag) =	ssettag $0x2  }
0x70: {  	s0 =	rddreg [dreg:$0x0];
	s2 =	stileid.u32  }
0x71: {  	s1 =	rddreg [dreg:$0x1];
	p0 =	sne.s32 s2, $0x0  }
0x72: {  	s3 =	rddreg [dreg:$0x2];
	[bflag:$0x3] =	sbarrier.arrive $0xFFFF;
	s2 =	simm.s32 @!p0 $0x1C01  }
0x73: {  	[timem:s3], [sflag:s2] =	dma.local @!p0 [hbm:s0], s1  }
0x74: {  	s0 =	simm.s32 @!p0 $0x1  }
0x75: {  	_ =	swait.ge @!p0 [sflag:s0], s1  }
0x76: {  	s1 =	ssub.s32 @!p0 $0x0, s1;
	[sflag:s0] =	ssyncset.done @!p0 $0x0  }
0x77: {  	[sflag:s0] =	ssyncadd.s32 @!p0 s1  }
0x78: {  	[bflag:$0x3] =	sbarrier.arrive $0xFFFF  }
0x79: {  	_ =	shalt  }

</sc_bundles>
